<compile_context>
chip_gen: v7x
topology: tpu7x:2x2x1
jax: 0.10.2.dev20260603
libtpu: 0.0.44.dev20260713+nightly
codegen_flags: <defaults>
</compile_context>

<pallas_src>
import functools

import jax
import jax.numpy as jnp
from jax import lax
from jax.experimental import pallas as pl
from jax.experimental.pallas import tpu as pltpu
from jax.experimental.pallas import tpu_sc as plsc

N = 10000
B = 128
D = 768
KL = 128
NB = 10000
BIG = 2**30


def _match_body(x_ref, inp_ref, out_ref):
    i = pl.program_id(0)
    t = inp_ref[...].astype(jnp.int32)
    qt = x_ref[...].T.astype(jnp.int32)
    tlo = (t & 0xFF).astype(jnp.float32)
    thi = ((t >> 8) & 0xFF).astype(jnp.float32)
    qtlo = (qt & 0xFF).astype(jnp.float32)
    qthi = ((qt >> 8) & 0xFF).astype(jnp.float32)
    a = jnp.concatenate([tlo, thi], axis=1)
    bq = jnp.concatenate([qtlo, qthi], axis=0)
    s = lax.dot_general(
        a.astype(jnp.bfloat16), bq.astype(jnp.bfloat16),
        (((1,), (0,)), ((), ())),
        preferred_element_type=jnp.float32)
    na = jnp.sum(a * a, axis=1, keepdims=True)
    nq = jnp.sum(bq * bq, axis=0, keepdims=True)
    dist = (na - s) + (nq - s)
    rown = lax.broadcasted_iota(jnp.int32, (NB, B), 0) + i * NB
    cand = jnp.where(dist == 0.0, rown, BIG)
    colmin = jnp.min(cand, axis=0)

    @pl.when(i == 0)
    def _():
        out_ref[...] = jnp.full((8, B), BIG, jnp.int32)

    out_ref[...] = jnp.minimum(out_ref[...], colmin[None, :])


def _match_idx(x2, inp2, interpret=False):
    return pl.pallas_call(
        _match_body,
        grid=(N // NB,),
        in_specs=[
            pl.BlockSpec((B, KL), lambda i: (0, 0)),
            pl.BlockSpec((NB, KL), lambda i: (i, 0)),
        ],
        out_specs=pl.BlockSpec((8, B), lambda i: (0, 0)),
        out_shape=jax.ShapeDtypeStruct((8, B), jnp.int32),
        interpret=interpret,
    )(x2, inp2)


ROWS_PER_W = 8


@functools.cache
def _sc_gather_kernel():
    @functools.partial(
        pl.kernel,
        mesh=plsc.VectorSubcoreMesh(core_axis_name="c", subcore_axis_name="s",
                                    num_cores=1),
        out_type=jax.ShapeDtypeStruct((B, D), jnp.float32),
        scratch_types=[
            pltpu.VMEM((ROWS_PER_W,), jnp.int32),
            pltpu.VMEM((ROWS_PER_W, D), jnp.float32),
            pltpu.SemaphoreType.DMA,
        ],
    )
    def _sc_gather(table_hbm, idx_hbm, out_hbm, idx_v, rows_v, sem):
        wid = lax.axis_index("s")
        base = wid * ROWS_PER_W
        pltpu.sync_copy(idx_hbm.at[0, pl.ds(base, ROWS_PER_W)], idx_v)
        pltpu.async_copy(table_hbm.at[idx_v], rows_v, sem).wait()
        pltpu.sync_copy(rows_v, out_hbm.at[pl.ds(base, ROWS_PER_W)])

    return _sc_gather


def kernel(x, inputs, outputs):
    x2 = x.reshape(B, KL).astype(jnp.int16)
    inp2 = inputs.reshape(N, KL).astype(jnp.int16)
    idx8 = _match_idx(x2, inp2)
    return _sc_gather_kernel()(outputs, idx8)

# --- scband reference (transcript-rebuilt; emitter-appended) ---
"""Pipeline reference for scband-gptembed-85083302133819 (READ-ONLY COPY).

The authoritative reference and input builder live on the scoring server;
editing this copy changes nothing except your own understanding.
"""

import jax, jax.numpy as jnp
import numpy as np

N = 10000   # stored dataset size (data_path contents)
B = 128     # query batch
K = 2       # strings per example
L = 64      # tokens per string
D = 768     # GPT2-small hidden size (precomputed embedding dim)
VOCAB = 50257


def setup_inputs(seed: int = 0) -> dict:
    key = jax.random.key(seed)
    k1, k2, k3 = jax.random.split(key, 3)
    # frozen-GPT buffers: stored token inputs and precomputed embeddings
    inputs = jax.random.randint(k1, (N, K, L), 0, VOCAB, dtype=jnp.int32)
    outputs = jax.random.normal(k3, (N, D), dtype=jnp.float32)
    # queries must be exact rows of the stored inputs (retrieval by exact match)
    perm = jax.random.permutation(k2, N)[:B]
    x = inputs[perm]
    return {"x": x, "inputs": inputs, "outputs": outputs}


def reference(x, inputs, outputs):
    # equals = self.inputs.unsqueeze(1) == x.unsqueeze(0)
    equals = inputs[:, None, :, :] == x[None, :, :, :]          # [N, B, K, L] bool
    # matches = equals.all(-1).all(-1)
    matches = jnp.all(jnp.all(equals, axis=-1), axis=-1)        # [N, B]
    # inputs_indices, x_indices = matches.nonzero().T
    # exactly one stored row matches each query row -> B total matches
    inputs_indices, x_indices = jnp.nonzero(matches, size=x.shape[0])
    # _, x_indices = torch.sort(x_indices)  (torch.sort returns (values, argsort))
    order = jnp.argsort(x_indices)
    # return self.outputs[inputs_indices[x_indices]]
    return outputs[inputs_indices[order]]                       # [B, D]


if False:  # reference __main__ guard neutralized (emitter)
    out = reference(**setup_inputs())
    print(out.shape, out.dtype)

if __name__ == "__main__":
    import jax
    _d = setup_inputs()
    print(jax.jit(kernel)(*tuple(_d.values())))

</pallas_src>

<mosaic_0001>
#map = affine_map<(d0, d1) -> (0, 0)>
module attributes {stable_mosaic.version = 14 : i64} {
  func.func @_sc_gather(%arg0: i32, %arg1: i32, %arg2: memref<10000x768xf32, #tpu.memory_space<hbm>>, %arg3: memref<8x128xi32, #tpu.memory_space<hbm>>, %arg4: memref<128x768xf32, #tpu.memory_space<hbm>>, %arg5: memref<8xi32, #tpu.memory_space<vmem>>, %arg6: memref<8x768xf32, #tpu.memory_space<vmem>>, %arg7: memref<!tpu.dma_semaphore, #tpu.memory_space<semaphore_mem>>) attributes {dimension_semantics = [#tpu.dimension_semantics<core_parallel>, #tpu.dimension_semantics<subcore_parallel>], iteration_bounds = array<i64: 1, 16>, scalar_prefetch = 0 : i64, scratch_operands = 3 : i64, tpu.core_type = #tpu.core_type<sc_vector_subcore>, window_params = [{transform_indices = #map}, {transform_indices = #map}, {transform_indices = #map}]} {
    %mul3A = arith.constant 8 : i32
    %mul3A_0 = arith.muli %arg1, %mul3A : i32
    %run_scoped3A = arith.constant 0 : i32
    "tpu.region"() ({
      %run_scoped3A_5 = tpu.sem_alloc : memref<!tpu.dma_semaphore, #tpu.memory_space<semaphore_mem>>
      %dma_start3A_6 = tpu.memref_slice %arg3[%run_scoped3A, %mul3A_0] : memref<8x128xi32, #tpu.memory_space<hbm>> -> memref<1x8xi32, #tpu.memory_space<hbm>>
      %dma_start3A_7 = tpu.memref_squeeze %dma_start3A_6 : memref<1x8xi32, #tpu.memory_space<hbm>> -> memref<8xi32, #tpu.memory_space<hbm>>
      %dma_start3A_8 = tpu.memref_slice %arg3[%run_scoped3A, %mul3A_0] : memref<8x128xi32, #tpu.memory_space<hbm>> -> memref<1x8xi32, #tpu.memory_space<hbm>>
      %dma_start3A_9 = tpu.memref_squeeze %dma_start3A_8 : memref<1x8xi32, #tpu.memory_space<hbm>> -> memref<8xi32, #tpu.memory_space<hbm>>
      tpu.enqueue_dma source(%dma_start3A_9 : memref<8xi32, #tpu.memory_space<hbm>>) target(%arg5 : memref<8xi32, #tpu.memory_space<vmem>>) target_semaphore(%run_scoped3A_5 : memref<!tpu.dma_semaphore, #tpu.memory_space<semaphore_mem>>)
      %dma_wait3A_10 = tpu.memref_slice %arg3[%run_scoped3A, %mul3A_0] : memref<8x128xi32, #tpu.memory_space<hbm>> -> memref<1x8xi32, #tpu.memory_space<hbm>>
      %dma_wait3A_11 = tpu.memref_squeeze %dma_wait3A_10 : memref<1x8xi32, #tpu.memory_space<hbm>> -> memref<8xi32, #tpu.memory_space<hbm>>
      %dma_wait3A_12 = tpu.memref_slice %arg3[%run_scoped3A, %mul3A_0] : memref<8x128xi32, #tpu.memory_space<hbm>> -> memref<1x8xi32, #tpu.memory_space<hbm>>
      %dma_wait3A_13 = tpu.memref_squeeze %dma_wait3A_12 : memref<1x8xi32, #tpu.memory_space<hbm>> -> memref<8xi32, #tpu.memory_space<hbm>>
      tpu.wait_dma2 semaphore(%run_scoped3A_5 : memref<!tpu.dma_semaphore, #tpu.memory_space<semaphore_mem>>) src(%dma_wait3A_13 : memref<8xi32, #tpu.memory_space<hbm>>) dst(%arg5 : memref<8xi32, #tpu.memory_space<vmem>>)
      tpu.yield
    }) : () -> ()
    %dma_start3A = arith.constant 0 : i32
    %dma_start3A_1 = arith.constant 0 : i32
    %dma_start3A_2 = tpu.memref_slice %arg2[%dma_start3A, %dma_start3A_1] : memref<10000x768xf32, #tpu.memory_space<hbm>> -> memref<10000x768xf32, #tpu.memory_space<hbm>>
    tpu.enqueue_indirect_dma source(%dma_start3A_2 : memref<10000x768xf32, #tpu.memory_space<hbm>>) target(%arg6 : memref<8x768xf32, #tpu.memory_space<vmem>>) offsets(%arg5 : memref<8xi32, #tpu.memory_space<vmem>>) semaphore(%arg7 : memref<!tpu.dma_semaphore, #tpu.memory_space<semaphore_mem>>)
    %dma_wait3A = arith.constant 0 : i32
    %dma_wait3A_3 = arith.constant 0 : i32
    %dma_wait3A_4 = tpu.memref_slice %arg2[%dma_wait3A, %dma_wait3A_3] : memref<10000x768xf32, #tpu.memory_space<hbm>> -> memref<10000x768xf32, #tpu.memory_space<hbm>>
    tpu.wait_indirect_dma semaphore(%arg7 : memref<!tpu.dma_semaphore, #tpu.memory_space<semaphore_mem>>) src(%dma_wait3A_4 : memref<10000x768xf32, #tpu.memory_space<hbm>>) dst(%arg6 : memref<8x768xf32, #tpu.memory_space<vmem>>)
    "tpu.region"() ({
      %run_scoped3A_5 = tpu.sem_alloc : memref<!tpu.dma_semaphore, #tpu.memory_space<semaphore_mem>>
      %dma_start3A_6 = arith.constant 0 : i32
      %dma_start3A_7 = tpu.memref_slice %arg4[%mul3A_0, %dma_start3A_6] : memref<128x768xf32, #tpu.memory_space<hbm>> -> memref<8x768xf32, #tpu.memory_space<hbm>>
      %dma_start3A_8 = arith.constant 0 : i32
      %dma_start3A_9 = tpu.memref_slice %arg4[%mul3A_0, %dma_start3A_8] : memref<128x768xf32, #tpu.memory_space<hbm>> -> memref<8x768xf32, #tpu.memory_space<hbm>>
      tpu.enqueue_dma source(%arg6 : memref<8x768xf32, #tpu.memory_space<vmem>>) target(%dma_start3A_9 : memref<8x768xf32, #tpu.memory_space<hbm>>) target_semaphore(%run_scoped3A_5 : memref<!tpu.dma_semaphore, #tpu.memory_space<semaphore_mem>>)
      %dma_wait3A_10 = arith.constant 0 : i32
      %dma_wait3A_11 = tpu.memref_slice %arg4[%mul3A_0, %dma_wait3A_10] : memref<128x768xf32, #tpu.memory_space<hbm>> -> memref<8x768xf32, #tpu.memory_space<hbm>>
      %dma_wait3A_12 = arith.constant 0 : i32
      %dma_wait3A_13 = tpu.memref_slice %arg4[%mul3A_0, %dma_wait3A_12] : memref<128x768xf32, #tpu.memory_space<hbm>> -> memref<8x768xf32, #tpu.memory_space<hbm>>
      tpu.wait_dma2 semaphore(%run_scoped3A_5 : memref<!tpu.dma_semaphore, #tpu.memory_space<semaphore_mem>>) src(%arg6 : memref<8x768xf32, #tpu.memory_space<vmem>>) dst(%dma_wait3A_13 : memref<8x768xf32, #tpu.memory_space<hbm>>)
      tpu.yield
    }) : () -> ()
    return
  }
}

module attributes {stable_mosaic.version = 14 : i64} {
  func.func @_match_body(%arg0: i32, %arg1: memref<128x128xi16, #tpu.memory_space<vmem>>, %arg2: memref<10000x128xi16, #tpu.memory_space<vmem>>, %arg3: memref<8x128xi32, #tpu.memory_space<vmem>>) attributes {dimension_semantics = [#tpu.dimension_semantics<arbitrary>], iteration_bounds = array<i64: 1>, scalar_prefetch = 0 : i64, scratch_operands = 0 : i64, tpu.core_type = #tpu.core_type<tc>, window_params = [{pipeline_mode = #tpu.pipeline_mode<synchronous>, transform_indices = @transform_0, window_bounds = array<i64: 128, 128>}, {transform_indices = @transform_1, window_bounds = array<i64: 10000, 128>}, {pipeline_mode = #tpu.pipeline_mode<synchronous>, transform_indices = @transform_2, window_bounds = array<i64: 8, 128>}]} {
    %get3A = arith.constant 0 : index
    %get3A_0 = arith.constant 0 : index
    %get3A_1 = vector.load %arg2[%get3A, %get3A_0] : memref<10000x128xi16, #tpu.memory_space<vmem>>, vector<10000x128xi16>
    %convert_element_type3A = arith.extsi %get3A_1 : vector<10000x128xi16> to vector<10000x128xi32>
    %get3A_2 = arith.constant 0 : index
    %get3A_3 = arith.constant 0 : index
    %get3A_4 = vector.load %arg1[%get3A_2, %get3A_3] : memref<128x128xi16, #tpu.memory_space<vmem>>, vector<128x128xi16>
    %transpose3A = tpu.transpose %get3A_4, [1, 0] : vector<128x128xi16> -> vector<128x128xi16>
    %convert_element_type3A_5 = arith.extsi %transpose3A : vector<128x128xi16> to vector<128x128xi32>
    %and3A = arith.constant 255 : i32
    %and3A_6 = vector.broadcast %and3A : i32 to vector<10000x128xi32>
    %and3A_7 = arith.andi %convert_element_type3A, %and3A_6 : vector<10000x128xi32>
    %convert_element_type3A_8 = arith.sitofp %and3A_7 : vector<10000x128xi32> to vector<10000x128xf32>
    %shift_right_arithmetic3A = arith.constant 8 : i32
    %shift_right_arithmetic3A_9 = vector.broadcast %shift_right_arithmetic3A : i32 to vector<10000x128xi32>
    %shift_right_arithmetic3A_10 = arith.shrsi %convert_element_type3A, %shift_right_arithmetic3A_9 : vector<10000x128xi32>
    %and3A_11 = arith.constant 255 : i32
    %and3A_12 = vector.broadcast %and3A_11 : i32 to vector<10000x128xi32>
    %and3A_13 = arith.andi %shift_right_arithmetic3A_10, %and3A_12 : vector<10000x128xi32>
    %convert_element_type3A_14 = arith.sitofp %and3A_13 : vector<10000x128xi32> to vector<10000x128xf32>
    %and3A_15 = arith.constant 255 : i32
    %and3A_16 = vector.broadcast %and3A_15 : i32 to vector<128x128xi32>
    %and3A_17 = arith.andi %convert_element_type3A_5, %and3A_16 : vector<128x128xi32>
    %convert_element_type3A_18 = arith.sitofp %and3A_17 : vector<128x128xi32> to vector<128x128xf32>
    %shift_right_arithmetic3A_19 = arith.constant 8 : i32
    %shift_right_arithmetic3A_20 = vector.broadcast %shift_right_arithmetic3A_19 : i32 to vector<128x128xi32>
    %shift_right_arithmetic3A_21 = arith.shrsi %convert_element_type3A_5, %shift_right_arithmetic3A_20 : vector<128x128xi32>
    %and3A_22 = arith.constant 255 : i32
    %and3A_23 = vector.broadcast %and3A_22 : i32 to vector<128x128xi32>
    %and3A_24 = arith.andi %shift_right_arithmetic3A_21, %and3A_23 : vector<128x128xi32>
    %convert_element_type3A_25 = arith.sitofp %and3A_24 : vector<128x128xi32> to vector<128x128xf32>
    %concatenate3A = tpu.concatenate %convert_element_type3A_8, %convert_element_type3A_14 in 1 : vector<10000x128xf32>, vector<10000x128xf32> -> vector<10000x256xf32>
    %concatenate3A_26 = tpu.concatenate %convert_element_type3A_18, %convert_element_type3A_25 in 0 : vector<128x128xf32>, vector<128x128xf32> -> vector<256x128xf32>
    %convert_element_type3A_27 = arith.truncf %concatenate3A : vector<10000x256xf32> to vector<10000x256xbf16>
    %convert_element_type3A_28 = arith.truncf %concatenate3A_26 : vector<256x128xf32> to vector<256x128xbf16>
    %dot_general3A = arith.constant dense<0.000000e+00> : vector<10000x128xf32>
    %dot_general3A_29 = tpu.matmul %convert_element_type3A_27, %convert_element_type3A_28, %dot_general3A {dimension_numbers = #tpu.dot_dimension_numbers<[1], [0], [0], [1], [0, 0, 1, 1], [], []>, transpose_lhs_hint = false} : vector<10000x256xbf16>, vector<256x128xbf16>, vector<10000x128xf32> -> vector<10000x128xf32>
    %mul3A = arith.mulf %concatenate3A, %concatenate3A : vector<10000x256xf32>
    %reduce_sum3A = arith.constant dense<0.000000e+00> : vector<10000xf32>
    %reduce_sum3A_30 = vector.multi_reduction <add>, %mul3A, %reduce_sum3A [1] : vector<10000x256xf32> to vector<10000xf32>
    %broadcast_in_dim3A = vector.shape_cast %reduce_sum3A_30 : vector<10000xf32> to vector<10000x1xf32>
    %mul3A_31 = arith.mulf %concatenate3A_26, %concatenate3A_26 : vector<256x128xf32>
    %reduce_sum3A_32 = arith.constant dense<0.000000e+00> : vector<128xf32>
    %reduce_sum3A_33 = vector.multi_reduction <add>, %mul3A_31, %reduce_sum3A_32 [0] : vector<256x128xf32> to vector<128xf32>
    %broadcast_in_dim3A_34 = vector.shape_cast %reduce_sum3A_33 : vector<128xf32> to vector<1x128xf32>
    %sub3A = vector.broadcast %broadcast_in_dim3A : vector<10000x1xf32> to vector<10000x128xf32>
    %sub3A_35 = arith.subf %sub3A, %dot_general3A_29 : vector<10000x128xf32>
    %sub3A_36 = vector.broadcast %broadcast_in_dim3A_34 : vector<1x128xf32> to vector<10000x128xf32>
    %sub3A_37 = arith.subf %sub3A_36, %dot_general3A_29 : vector<10000x128xf32>
    %add3A = arith.addf %sub3A_35, %sub3A_37 : vector<10000x128xf32>
    %iota3A = tpu.iota {dimensions = array<i32: 0>} : vector<10000x128xi32>
    %mul3A_38 = arith.constant 10000 : i32
    %mul3A_39 = arith.muli %arg0, %mul3A_38 : i32
    %add3A_40 = vector.broadcast %mul3A_39 : i32 to vector<10000x128xi32>
    %add3A_41 = arith.addi %iota3A, %add3A_40 : vector<10000x128xi32>
    %eq3A = arith.constant 0.000000e+00 : f32
    %eq3A_42 = vector.broadcast %eq3A : f32 to vector<10000x128xf32>
    %eq3A_43 = arith.cmpf oeq, %add3A, %eq3A_42 : vector<10000x128xf32>
    %jit3A = arith.constant 1073741824 : i32
    %broadcast_in_dim3A_44 = vector.broadcast %jit3A : i32 to vector<10000x128xi32>
    %select_n3A = arith.select %eq3A_43, %add3A_41, %broadcast_in_dim3A_44 : vector<10000x128xi1>, vector<10000x128xi32>
    %reduce_min3A = arith.constant dense<2147483647> : vector<128xi32>
    %reduce_min3A_45 = vector.multi_reduction <minsi>, %select_n3A, %reduce_min3A [0] : vector<10000x128xi32> to vector<128xi32>
    %eq3A_46 = arith.constant 0 : i32
    %eq3A_47 = arith.cmpi eq, %arg0, %eq3A_46 : i32
    %convert_element_type3A_48 = arith.extui %eq3A_47 : i1 to i32
    %cond3A = arith.constant 0 : i32
    %cond3A_49 = arith.cmpi ne, %convert_element_type3A_48, %cond3A : i32
    scf.if %cond3A_49 {
      %broadcast_in_dim3A_57 = arith.constant 1073741824 : i32
      %broadcast_in_dim3A_58 = vector.broadcast %broadcast_in_dim3A_57 : i32 to vector<8x128xi32>
      %swap3A_59 = arith.constant 0 : index
      %swap3A_60 = arith.constant 0 : index
      %swap3A_61 = vector.load %arg3[%swap3A_59, %swap3A_60] : memref<8x128xi32, #tpu.memory_space<vmem>>, vector<8x128xi32>
      tpu.vector_store %arg3[%swap3A_59, %swap3A_60], %broadcast_in_dim3A_58 {strides = array<i32>} : memref<8x128xi32, #tpu.memory_space<vmem>>, vector<8x128xi32>,
    } else {
    }
    %get3A_50 = arith.constant 0 : index
    %get3A_51 = arith.constant 0 : index
    %get3A_52 = vector.load %arg3[%get3A_50, %get3A_51] : memref<8x128xi32, #tpu.memory_space<vmem>>, vector<8x128xi32>
    %broadcast_in_dim3A_53 = vector.shape_cast %reduce_min3A_45 : vector<128xi32> to vector<1x128xi32>
    %min3A = vector.broadcast %broadcast_in_dim3A_53 : vector<1x128xi32> to vector<8x128xi32>
    %min3A_54 = arith.minsi %get3A_52, %min3A : vector<8x128xi32>
    %swap3A = arith.constant 0 : index
    %swap3A_55 = arith.constant 0 : index
    %swap3A_56 = vector.load %arg3[%swap3A, %swap3A_55] : memref<8x128xi32, #tpu.memory_space<vmem>>, vector<8x128xi32>
    tpu.vector_store %arg3[%swap3A, %swap3A_55], %min3A_54 {strides = array<i32>} : memref<8x128xi32, #tpu.memory_space<vmem>>, vector<8x128xi32>,
    return
  }
  func.func @transform_0(%arg0: i32) -> (i32, i32) {
    %c0_i32 = arith.constant 0 : i32
    %c0_i32_0 = arith.constant 0 : i32
    %c0_i32_1 = arith.constant 0 : i32
    return %c0_i32, %c0_i32_0 : i32, i32
  }
  func.func @transform_1(%arg0: i32) -> (i32, i32) {
    %c0_i32 = arith.constant 0 : i32
    %c0_i32_0 = arith.constant 0 : i32
    return %arg0, %c0_i32 : i32, i32
  }
  func.func @transform_2(%arg0: i32) -> (i32, i32) {
    %c0_i32 = arith.constant 0 : i32
    %c0_i32_0 = arith.constant 0 : i32
    %c0_i32_1 = arith.constant 0 : i32
    return %c0_i32, %c0_i32_0 : i32, i32
  }
}

</mosaic_0001>

<sc_bundles>
// kernel: kernel.4.cloned.1.call-start
scs
__scs_entry_jumppad:
0x0: {  	(pc) =	sbr.rel $0x88, $3  }
0x1: {  	(tag) =	ssettag $0x0;
	lr =	simm.s32 $0x1  }
0x2: {  	[smem:$0x3F9E] =	sst lr;
	_ =	strace $0xD0000000  }
0x3: {  	_ = 	snop  }
0x4: {  	_ = 	snop  }
0x5: {  	_ = 	snop  }
0x6: {  	_ = 	snop  }
0x7: {  	_ = 	snop  }
__scs_overlays_trampoline_lowered:
0x8: {  	[smem:$0x3FAD] =	sst s0  }
0x9: {  	[smem:$0x3FAE] =	sst s1  }
0xa: {  	[smem:$0x3FAF] =	sst s2  }
0xb: {  	[smem:$0x3FB0] =	sst s3  }
0xc: {  	[smem:$0x3FB1] =	sst s4  }
0xd: {  	[smem:$0x3FB2] =	sst s5  }
0xe: {  	[smem:$0x3FB3] =	sst s6  }
0xf: {  	[smem:$0x3FB4] =	sst s7  }
0x10: {  	[smem:$0x3FB5] =	sst s8  }
0x11: {  	[smem:$0x3FB6] =	sst s9;
	s0 =	simm.s32 @!p0 $0x0  }
0x12: {  	s1 =	sld [smem:$0x3F9C];
	s0 =	simm.s32 @p0 $0x1  }
0x13: {  	[smem:$0x3FB7] =	sst s0;
	s0 =	simm.s32 @!p1 $0x0  }
0x14: {  	s2 =	sld [smem:$0x3F9B];
	s0 =	simm.s32 @p1 $0x1  }
0x15: {  	[smem:$0x3FB8] =	sst s0;
	s0 =	simm.s32 @!p2 $0x0  }
0x16: {  	s3 =	sld [smem:$0x3FDB];
	s0 =	simm.s32 @p2 $0x1  }
0x17: {  	s4 =	simm.s32 $0x1BF5;
	[smem:$0x3FBA] =	sst s0  }
0x18: {  	s0 =	sld [smem:$0x3F9D];
	_ =	swait.ge [sflag:s4], $0x0  }
0x19: {  	s7 =	sld [smem:$0x3F9E]  }
0x1a: {  	s8 =	sadd.s32 $0xFFFFE003, lr  }
0x1b: {  	s9 =	sadd.s32 $0xFFFFFEF7, lr;
	s5 =	simm.s32 $0xFFFFFFFF;
	p2 =	slt.u32 s8, $0xFFFFF086  }
0x1c: {  	p1 =	slt.u32 s9, $0xF7A;
	s5 =	simm.s32 @!p2 $0x0  }
0x1d: {  	s5 =	simm.s32 @p1 $0x1;
	p0 =	seq.s32 s7, s2  }
0x1e: {  	s7 =	smul.u32 @!p0 $0xF7A, s2;
	p2 =	seq.s32 @!p0 s5, $0x0  }
0x1f: {  	s9 =	smul.u32 $0xF7A, s1;
	s8 =	simm.s32 @!p0 $0x1BF5;
	p2 =	por !p2, p0  }
0x20: {  	[sflag:s8] =	ssyncset.s32 @!p0 $0xFFFFF086;
	s6 =	sadd.s32 @!p0 s3, s7;
	s7 =	simm.s32 @!p0 $0x108  }
0x21: {  	s3 =	sadd.s32 s3, s9;
	s6 =	sadd.s32 @!p0 $0x88, s6;
	s7 =	simm.s32 @p2 $0x1082  }
0x22: {  	[simem:s7], [sflag:s8] =	dma.local @!p0 [hbm:s6], $0xF7A  }
0x23: {  	s9 =	sor.u32 $0xD0000000, s2;
	s6 =	simm.s32 $0x108;
	_ =	swait.ge @!p0 [sflag:s8], $0x0  }
0x24: {  	s3 =	sadd.s32 $0x88, s3;
	s6 =	simm.s32 @!p1 $0x1082;
	[sflag:s4] =	ssyncset.s32 $0xFFFFF086  }
0x25: {  	[simem:s6], [sflag:s4] =	dma.local [hbm:s3], $0xF7A  }
0x26: {  	[smem:$0x3F9E] =	sst s1;
	(tag) =	ssettag s2;
	_ =	strace s9  }
0x27: {  	s1 =	sld [smem:$0x3FAE]  }
0x28: {  	s2 =	sld [smem:$0x3FAF]  }
0x29: {  	s4 =	sld [smem:$0x3FB1]  }
0x2a: {  	p0 =	seq.s32 s5, $0x0;
	s5 =	sld [smem:$0x3FB2]  }
0x2b: {  	s6 =	sld [smem:$0x3FB3]  }
0x2c: {  	s7 =	sld [smem:$0x3FB4]  }
0x2d: {  	s3 =	simm.s32 $0x108;
	s8 =	sld [smem:$0x3FB5]  }
0x2e: {  	s3 =	simm.s32 @!p0 $0x1082;
	s9 =	sld [smem:$0x3FB6]  }
0x2f: {  	lr =	sadd.s32 s0, s3;
	s0 =	sld [smem:$0x3FAD]  }
0x30: {  	s3 =	sld [smem:$0x3FB0]  }
0x31: {  	[smem:$0x3FB9] =	sst s10  }
0x32: {  	s10 =	sld [smem:$0x3FB7];
	_ =	sdelay $0x3  }
0x33: {  	p0 =	seq.s32 s10, $0x1;
	s10 =	sld [smem:$0x3FB9];
	_ =	sdelay $0x3  }
0x34: {  	[smem:$0x3FB9] =	sst s10  }
0x35: {  	s10 =	sld [smem:$0x3FB8];
	_ =	sdelay $0x3  }
0x36: {  	p1 =	seq.s32 s10, $0x1;
	s10 =	sld [smem:$0x3FB9];
	_ =	sdelay $0x3  }
0x37: {  	[smem:$0x3FB9] =	sst s10  }
0x38: {  	s10 =	sld [smem:$0x3FBA]  }
0x39: {  	_ = 	snop;
	(pc) =	sbr.ind lr, $3  }
0x3a: {  	_ = 	snop  }
0x3b: {  	_ = 	snop  }
0x3c: {  	p2 =	seq.s32 s10, $0x1;
	s10 =	sld [smem:$0x3FB9]  }
0x3d: {  	_ =	shalt  }
0x3e: {  	_ =	shalt  }
0x3f: {  	_ =	shalt  }
0x40: {  	_ =	shalt  }
0x41: {  	_ =	shalt  }
0x42: {  	_ =	shalt  }
0x43: {  	_ =	shalt  }
0x44: {  	_ =	shalt  }
0x45: {  	_ =	shalt  }
0x46: {  	_ =	shalt  }
0x47: {  	_ =	shalt  }
0x48: {  	_ =	shalt  }
0x49: {  	_ =	shalt  }
0x4a: {  	_ =	shalt  }
0x4b: {  	_ =	shalt  }
0x4c: {  	_ =	shalt  }
0x4d: {  	_ =	shalt  }
0x4e: {  	_ =	shalt  }
0x4f: {  	_ =	shalt  }
0x50: {  	_ =	shalt  }
0x51: {  	_ =	shalt  }
0x52: {  	_ =	shalt  }
0x53: {  	_ =	shalt  }
0x54: {  	_ =	shalt  }
0x55: {  	_ =	shalt  }
0x56: {  	_ =	shalt  }
0x57: {  	_ =	shalt  }
0x58: {  	_ =	shalt  }
0x59: {  	_ =	shalt  }
0x5a: {  	_ =	shalt  }
0x5b: {  	_ =	shalt  }
0x5c: {  	_ =	shalt  }
0x5d: {  	_ =	shalt  }
0x5e: {  	_ =	shalt  }
0x5f: {  	_ =	shalt  }
0x60: {  	_ =	shalt  }
0x61: {  	_ =	shalt  }
0x62: {  	_ =	shalt  }
0x63: {  	_ =	shalt  }
0x64: {  	_ =	shalt  }
0x65: {  	_ =	shalt  }
0x66: {  	_ =	shalt  }
0x67: {  	_ =	shalt  }
0x68: {  	_ =	shalt  }
0x69: {  	_ =	shalt  }
0x6a: {  	_ =	shalt  }
0x6b: {  	_ =	shalt  }
0x6c: {  	_ =	shalt  }
0x6d: {  	_ =	shalt  }
0x6e: {  	_ =	shalt  }
0x6f: {  	_ =	shalt  }
0x70: {  	_ =	shalt  }
0x71: {  	_ =	shalt  }
0x72: {  	_ =	shalt  }
0x73: {  	_ =	shalt  }
0x74: {  	_ =	shalt  }
0x75: {  	_ =	shalt  }
0x76: {  	_ =	shalt  }
0x77: {  	_ =	shalt  }
0x78: {  	_ =	shalt  }
0x79: {  	_ =	shalt  }
0x7a: {  	_ =	shalt  }
0x7b: {  	_ =	shalt  }
0x7c: {  	_ =	shalt  }
0x7d: {  	_ =	shalt  }
0x7e: {  	_ =	shalt  }
0x7f: {  	_ =	shalt  }
0x80: {  	_ =	shalt  }
0x81: {  	_ =	shalt  }
0x82: {  	_ =	shalt  }
0x83: {  	_ =	shalt  }
0x84: {  	_ =	shalt  }
0x85: {  	_ =	shalt  }
0x86: {  	_ =	shalt  }
0x87: {  	_ =	shalt  }
.Lfunc_end0:
.L_simem_size_0:
called_computation_lowered:
.L_overlay_start_0:
0x88: {  	s0 =	sld [smem:$0x3FD9]  }
0x89: {  	s1 =	sld [smem:$0x3FFE];
	_ =	sdelay $0x3  }
0x8a: {  	s0 =	sadd.s32 s1, s0  }
0x8b: {  	[smem:$0x3FC5] =	sst s0  }
0x8c: {  	_ = 	snop  }
0x8d: {  	s0 =	sld [smem:$0x3FC7]  }
0x8e: {  	s16 =	sld [smem:$0x3FD0];
	(tm) =	ssettm $0x1  }
0x8f: {  	s2 =	sld [smem:$0x3FFB];
	_ =	sdelay $0x3  }
0x90: {  	_ =	strace s2  }
0x91: {  	s2 =	sld [smem:$0x3FFC];
	_ =	sdelay $0x3  }
0x92: {  	_ =	strace s2  }
0x93: {  	s2 =	sld [smem:$0x3FFD];
	_ =	sdelay $0x3  }
0x94: {  	_ =	strace s2  }
0x95: {  	_ =	strace $0x8FFFFFFF  }
0x96: {  	s17 =	sld [smem:$0x3FDB];
	_ =	sdelay $0x1  }
0x97: {  	s3 =	simm.s32 $_scs_section_size  }
0x98: {  	s4 =	simm.s32 $_size__tile_overlayer_lowered;
	s5 =	simm.s32 $_tile_overlayer_lowered  }
0x99: {  	s20 =	simm.s32 $0x1BFF;
	s19 =	sshll.u32 s5, $0x1;
	s2 =	sadd.s32 s3, s17  }
0x9a: {  	s6 =	simm.s32 $0x0;
	s18 =	sshll.u32 s4, $0x1;
	s4 =	sadd.s32 s19, s2  }
0x9b: {  	[timem:s6], [sflag:s20] =	dma.local [hbm:s4], s18  }
0x9c: {  	_ =	swait.ge [sflag:s20], s18  }
0x9d: {  	s3 =	ssub.s32 $0x0, s18;
	[sflag:s20] =	ssyncset.done $0x0  }
0x9e: {  	[sflag:s20] =	ssyncadd.s32 s3;
	_ =	sdelay $0x1  }
0x9f: {  	s21 =	simm.s32 $0x1B8B  }
0xa0: {  	_ =	swait.ge [sflag:s21], $0x1  }
0xa1: {  	[sflag:s21] =	ssyncset.done $0x0  }
0xa2: {  	s23 =	simm.s32 $0x1B8E;
	s22 =	sld [smem:$0x3FFE];
	[sflag:s21] =	ssyncadd.s32 $0xFFFFFFFF  }
0xa3: {  	s24 =	simm.s32 $execute0_lowered;
	[smem:$0x3FD2] =	sst s23  }
0xa4: {  	s4 =	sshll.u32 s24, $0x1;
	_ =	strace $0x80000046;
	[dreg:$0x1] =	wrdreg $0xFFFFFFFF  }
0xa5: {  	s25 =	simm.s32 $_size_execute0_lowered;
	s2 =	sadd.s32 s2, s4;
	[dreg:$0x0] =	wrdreg $0x0  }
0xa6: {  	s4 =	sshll.u32 s25, $0x1;
	[dreg:$0x2] =	wrdreg s2  }
0xa7: {  	[dreg:$0x3] =	wrdreg s4  }
0xa8: {  	[dreg:$0x4] =	wrdreg $0xC0  }
0xa9: {  	_ =	task [dreg:s6], $0x5FFFF  }
0xaa: {  	[dreg:$0x1] =	wrdreg $0xFFFFFFFF  }
0xab: {  	[dreg:$0x0] =	wrdreg $0x60  }
0xac: {  	[dreg:$0x2] =	wrdreg s0  }
0xad: {  	[dreg:$0x3] =	wrdreg s22  }
0xae: {  	[dreg:$0x4] =	wrdreg s16  }
0xaf: {  	[dreg:$0x5] =	wrdreg $0x9  }
0xb0: {  	_ =	task.clear_ibuf [dreg:s6], $0x6FFFF;
	_ =	strace $0x90000046  }
0xb1: {  	s26 =	simm.s32 $0x9;
	_ =	strace $0x80000048  }
0xb2: {  	_ =	swait.ge [sflag:s26], $0x1  }
0xb3: {  	[sflag:s26] =	ssyncadd.s32 $0xFFFFFFFF  }
0xb4: {  	_ =	strace $0x90000048  }
0xb5: {  	_ =	sfence  }
0xb6: {  	s28 =	sld [smem:$0x0];
	_ =	sdelay $0x1  }
0xb7: {  	s29 =	srdreg.scid  }
0xb8: {  	s30 =	sshll.u32 s29, $0xD;
	s31 =	sshrl.u32 s29, $0x2  }
0xb9: {  	s1 =	sand.u32 $0x1, s29;
	s2 =	sand.u32 $0x4000, s30;
	s0 =	sadd.s32 s31, s28  }
0xba: {  	s1 =	sor.u32 s2, s1;
	s0 =	sshll.u32 s0, $0x11  }
0xbb: {  	s0 =	sor.u32 s0, s1  }
0xbc: {  	s0 =	sadd.s32 $0x8F2B, s0  }
0xbd: {  	[sflag:s0] =	ssyncadd.remote.s32 $0x1  }
0xbe: {  	_ =	sfence.sel $0xFFFF  }
0xbf: {  	[dreg:$0x0] =	wrdreg $0xFFFFFFFF;
	(pc) =	sbr.abs _section_cstart, $3  }
0xc0: {  	[dreg:$0x1] =	wrdreg $0xFFFFFFFF  }
0xc1: {  	_ =	task.clear_ibuf [dreg:s6], $0x2FFFF;
	_ =	strace $0x9FFFFFFF  }
0xc2: {  	(tm) =	ssettm $0x7FFFFFFF  }
0xc3: {  	_ =	shalt  }
tec
execute0_lowered:
.L_overlay_start_1:
0x0: {  	(tag) =	ssettag $0x1  }
0x1: {  	s0 =	rddreg [dreg:$0x0]  }
0x2: {  	s1 =	rddreg [dreg:$0x1]  }
0x3: {  	s2 =	rddreg [dreg:$0x2]  }
0x4: {  	s3 =	rddreg [dreg:$0x3];
	s4 =	simm.s32 $0x0;
	s5 =	stileid.u32  }
0x5: {  	[smem:$0x7FF] =	sst s4;
	s1 =	sadd.s32 s5, s1  }
0x6: {  	s28 =	simm.s32 $0x2;
	_ =	strace $0x80000047;
	s1 =	sadd.s32 $0x800, s1  }
0x7: {  	[tilespmem:s4], [sflag:$0x2] =	stream.linear.gather [hbm4b:s1+s4], $0x8, $0x38;
	[tilespmem:$0x1880] =	vst v63  }
0x8: {  	_ =	swait.ge [sflag:s28], $0x8  }
0x9: {  	[sflag:s28] =	ssyncset.done $0x0  }
0xa: {  	[sflag:s28] =	ssyncadd.s32 $0xFFFFFFF8  }
0xb: {  	v0 =	vld.msk [tilespmem:$0x0], $0xff;
	_ =	sdelay $0x4  }
0xc: {  	v1 =	vshrl.u32 v0, $0x3  }
0xd: {  	v1 =	vmul.u32 $0x30, v1  }
0xe: {  	v2 =	vlaneseq.u32;
	v0 =	vand.u32 $0x7, v0  }
0xf: {  	v62 =	vand.u32 $0x7, v2;
	v2 =	vshrl.u32 v2, $0x3;
	v0 =	vor.u32 v0, v1  }
0x10: {  	v63 =	vmul.u32 $0x8, v2;
	v0 =	vperm.xlane v0, v62;
	_ =	sdelay $0x1  }
0x11: {  	v0 =	vadd.s32 v63, v0;
	_ =	sdelay $0x3  }
0x12: {  	vm0 =	vmmov $0xffff;
	s6 =	simm.s32 $0x80  }
0x13: {  	[tilespmem:s6], [sflag:$0x1] =	stream.indirect_vreg.gather [hbm4b:s0+s4], $0x80, v0, vm0, $0xb8;
	[tilespmem:$0x1880] =	vst v63  }
0x14: {  	s8 =	simm.s32 $0x880;
	s7 =	sadd.s32 $0x100, s0  }
0x15: {  	[tilespmem:s8], [sflag:$0x1] =	stream.indirect_vreg.gather [hbm4b:s7+s4], $0x80, v0, vm0, $0xb8;
	[tilespmem:$0x1880] =	vst v63  }
0x16: {  	s29 =	simm.s32 $0x1080;
	s30 =	simm.s32 $0x1;
	s0 =	sadd.s32 $0x200, s0  }
0x17: {  	[tilespmem:s29], [sflag:$0x1] =	stream.indirect_vreg.gather [hbm4b:s0+s4], $0x80, v0, vm0, $0xb8;
	[tilespmem:$0x1880] =	vst v63  }
0x18: {  	s31 =	smul.u32 $0x300, s5;
	_ =	swait.ge [sflag:s30], $0x1800  }
0x19: {  	[sflag:s30] =	ssyncset.done $0x0  }
0x1a: {  	s2 =	sadd.s32 s2, s31;
	[sflag:s30] =	ssyncadd.s32 $0xFFFFE800  }
0x1b: {  	[hbm4b:s2+s4] =	stream.linear.scatter [tilespmem:s6], [sflag:$0x2], $0x1800, $0x38;
	[tilespmem:$0x1880] =	vst v63  }
0x1c: {  	_ =	swait.ge [sflag:s28], $0x1800  }
0x1d: {  	[sflag:s28] =	ssyncset.done $0x0  }
0x1e: {  	[sflag:s28] =	ssyncadd.s32 $0xFFFFE800  }
0x1f: {  	_ =	sfence.sel $0x180000  }
0x20: {  	[bflag:$0x0] =	sbarrier.arrive $0xFFFF  }
0x21: {  	p0 =	sne.s32 s5, $0x0;
	_ =	strace $0x90000047  }
0x22: {  	s0 =	sadd.s32 @!p0 $0x100000, s3;
	[bflag:$0x2] =	sbarrier.arrive $0xFFFF  }
0x23: {  	[sflag:s0] =	ssyncadd.tile.s32 @!p0 $0x1;
	_ =	shalt  }
.Lfunc_end2:
_tile_overlayer_lowered:
.L_overlay_start_2:
0x24: {  	(tag) =	ssettag $0x2  }
0x25: {  	s0 =	rddreg [dreg:$0x0];
	s2 =	stileid.u32  }
0x26: {  	s1 =	rddreg [dreg:$0x1];
	p0 =	sne.s32 s2, $0x0  }
0x27: {  	s3 =	rddreg [dreg:$0x2];
	[bflag:$0x3] =	sbarrier.arrive $0xFFFF;
	s2 =	simm.s32 @!p0 $0x1C02  }
0x28: {  	[timem:s3], [sflag:s2] =	dma.local @!p0 [hbm:s0], s1  }
0x29: {  	s0 =	simm.s32 @!p0 $0x2  }
0x2a: {  	_ =	swait.ge @!p0 [sflag:s0], s1  }
0x2b: {  	s1 =	ssub.s32 @!p0 $0x0, s1;
	[sflag:s0] =	ssyncset.done @!p0 $0x0  }
0x2c: {  	[sflag:s0] =	ssyncadd.s32 @!p0 s1  }
0x2d: {  	[bflag:$0x3] =	sbarrier.arrive $0xFFFF  }
0x2e: {  	_ =	shalt  }

</sc_bundles>
